<compile_context>
chip_gen: v7x
topology: tpu7x:2x2x1
jax: 0.10.2.dev20260603
libtpu: 0.0.44.dev20260713+nightly
codegen_flags: <defaults>
</compile_context>

<pallas_src>
import functools

import jax
import jax.numpy as jnp
from jax import lax
from jax.experimental import pallas as pl
from jax.experimental.pallas import tpu as pltpu
from jax.experimental.pallas import tpu_sc as plsc

_V = 1000000
_D = 64
_B = 16384
_NEG = 20
_SLOTS = _NEG + 2
_ROWS = _B * _SLOTS
_NC = 2
_NS = 16
_NW = _NC * _NS
_RPW = _ROWS // _NW
_CH = 128
_NCH = _RPW // _CH

_GRP = 16384
_HG = _GRP // 2
_PBK = -(-_V // _GRP)
_TROWS = _PBK * _HG

_HB = 512


def _repack(ut):
    def body(x1_ref, x2_ref, o_ref):
        o_ref[:, :_D] = jnp.transpose(x1_ref[...], (1, 0))
        o_ref[:, _D:] = jnp.transpose(x2_ref[...], (1, 0))

    return pl.pallas_call(
        body,
        grid=(_PBK,),
        in_specs=[
            pl.BlockSpec(
                (_D, _HG),
                lambda i: (0, jnp.minimum(2 * i, (_V - 1) // _HG))),
            pl.BlockSpec(
                (_D, _HG),
                lambda i: (0, jnp.minimum(2 * i + 1, (_V - 1) // _HG))),
        ],
        out_specs=pl.BlockSpec((_HG, 2 * _D), lambda i: (i, 0)),
        out_shape=jax.ShapeDtypeStruct((_TROWS, 2 * _D), jnp.float32),
    )(ut, ut)


def _gather_rows(idx2d, table2):
    mesh = plsc.VectorSubcoreMesh(core_axis_name="c", subcore_axis_name="s")

    @functools.partial(
        pl.kernel,
        mesh=mesh,
        out_type=jax.ShapeDtypeStruct((_ROWS, _D), jnp.float32),
        scratch_types=[
            pltpu.VMEM((_NCH, _CH), jnp.int32),
            pltpu.VMEM((_CH, _D), jnp.float32),
            pltpu.SemaphoreType.DMA,
        ],
        compiler_params=pltpu.CompilerParams(use_tc_tiling_on_sc=False),
    )
    def k(idx_hbm, table_hbm, out_hbm, idx_v, rows_v, sem):
        wid = lax.axis_index("s") * _NC + lax.axis_index("c")
        pltpu.sync_copy(idx_hbm.at[pl.ds(wid * _NCH, _NCH)], idx_v)
        row0 = wid * _RPW

        def body(j, carry):
            pltpu.async_copy(table_hbm.at[idx_v.at[j]], rows_v, sem).wait()
            pltpu.sync_copy(rows_v, out_hbm.at[pl.ds(row0 + j * _CH, _CH)])
            return carry

        lax.fori_loop(0, _NCH, body, 0)

    return k(idx2d, table2)


def _score_body(neg_ref, u_ref, v_ref, d_ref, o_ref):
    i = pl.program_id(0)
    lane = lax.broadcasted_iota(jnp.int32, (2 * _D, 2), 0)
    w2 = jnp.where((lane < _D) == (lax.broadcasted_iota(
        jnp.int32, (2 * _D, 2), 1) == 0), 1.0, 0.0)
    d = d_ref[...]
    ub = u_ref[0]
    udE = jnp.dot(ub[:, :_D], d, preferred_element_type=jnp.float32)
    udO = jnp.dot(ub[:, _D:], d, preferred_element_type=jnp.float32)
    udW = jnp.concatenate([udE, udO], axis=1)
    vb = v_ref[0]
    sv = jnp.dot(vb * udW, w2, preferred_element_type=jnp.float32)
    nb = neg_ref[...]
    q = (nb * udW[None, :, :]).reshape(_NEG * _HB, 2 * _D)
    sn = jnp.dot(q, w2, preferred_element_type=jnp.float32)
    t = (jnp.sum(jax.nn.softplus(-jnp.clip(sv, -10.0, 10.0)))
         + jnp.sum(jax.nn.softplus(jnp.clip(sn, -10.0, 10.0)))) * (1.0 / _B)
    t2 = t[None, None]

    @pl.when(i == 0)
    def _():
        o_ref[...] = t2

    @pl.when(i > 0)
    def _():
        o_ref[...] += t2


def _score(g3, diag):
    nblk = _B // (2 * _HB)
    out = pl.pallas_call(
        _score_body,
        grid=(nblk,),
        in_specs=[
            pl.BlockSpec((_NEG, _HB, 2 * _D), lambda i: (0, i, 0)),
            pl.BlockSpec((1, _HB, 2 * _D), lambda i: (_NEG, i, 0)),
            pl.BlockSpec((1, _HB, 2 * _D), lambda i: (_NEG + 1, i, 0)),
            pl.BlockSpec((_D, _D), lambda i: (0, 0)),
        ],
        out_specs=pl.BlockSpec((1, 1), lambda i: (0, 0)),
        out_shape=jax.ShapeDtypeStruct((1, 1), jnp.float32),
        compiler_params=pltpu.CompilerParams(
            vmem_limit_bytes=100 * 1024 * 1024),
    )(g3, g3, g3, diag)
    return out[0, 0]


def kernel(pos_u, pos_v, neg_v, diag, u_weight):
    table2 = _repack(u_weight.T)
    tv = table2.reshape(2 * _TROWS, _D)
    idx = jnp.concatenate(
        [neg_v.T.reshape(-1), pos_u, pos_v]).astype(jnp.int32)
    rows = (((idx // _GRP) * _HG + (idx & (_HG - 1))) * 2
            + ((idx // _HG) & 1)).reshape(_NW * _NCH, _CH)
    g = _gather_rows(rows, tv)
    g3 = g.reshape(_SLOTS, _B // 2, 2 * _D)
    return _score(g3, diag)

# --- scband reference (transcript-rebuilt; emitter-appended) ---
"""Pipeline reference for scband-context-free-sgmodel-75127567942276 (READ-ONLY COPY).

The authoritative reference and input builder live on the scoring server;
editing this copy changes nothing except your own understanding.
"""

import jax, jax.numpy as jnp
import numpy as np

VOCAB = 1000000
DIM = 64
B = 16384
NEG = 20

def setup_inputs(seed: int = 0) -> dict:
    key = jax.random.key(seed)
    k1, k2, k3, k4, k5 = jax.random.split(key, 5)
    pos_u = jax.random.randint(k1, (B,), 0, VOCAB)
    pos_v = jax.random.randint(k2, (B,), 0, VOCAB)
    neg_v = jax.random.randint(k3, (B, NEG), 0, VOCAB)
    diag = jax.random.normal(k4, (DIM, DIM), dtype=jnp.float32)
    initrange = 1.0 / DIM
    u_weight = jax.random.uniform(k5, (VOCAB, DIM), dtype=jnp.float32, minval=-initrange, maxval=initrange)
    return {"pos_u": pos_u, "pos_v": pos_v, "neg_v": neg_v, "diag": diag, "u_weight": u_weight}

def reference(pos_u, pos_v, neg_v, diag, u_weight):
    # Embedding lookups (gather)
    emb_u = jnp.take(u_weight, pos_u, axis=0)            # [B, D]
    emb_v = jnp.take(u_weight, pos_v, axis=0)            # [B, D]
    emb_neg_v = jnp.take(u_weight, neg_v, axis=0)        # [B, NEG, D]
    # Positive score
    emb_u_diag = jnp.matmul(emb_u, diag)                 # [B, D]
    score = jnp.sum(emb_u_diag * emb_v, axis=1)          # [B]
    score = jnp.clip(score, -10.0, 10.0)
    score = -jax.nn.log_sigmoid(score)
    # Negative score: bmm([B, NEG, D], [B, D, 1]) -> [B, NEG]
    neg_score = jnp.einsum('bnd,bd->bn', emb_neg_v, emb_u_diag)
    neg_score = jnp.clip(neg_score, -10.0, 10.0)
    neg_score = -jnp.sum(jax.nn.log_sigmoid(-neg_score), axis=1)
    return jnp.mean(score + neg_score)

if __name__ == "__main__":
    import jax
    _d = setup_inputs()
    print(jax.jit(kernel)(*tuple(_d.values())))

</pallas_src>

<mosaic_0001>
#map = affine_map<(d0, d1) -> (0, 0)>
module attributes {stable_mosaic.version = 14 : i64} {
  func.func @k(%arg0: i32, %arg1: i32, %arg2: memref<2816x128xi32, #tpu.memory_space<hbm>>, %arg3: memref<1015808x64xf32, #tpu.memory_space<hbm>>, %arg4: memref<360448x64xf32, #tpu.memory_space<hbm>>, %arg5: memref<88x128xi32, #tpu.memory_space<vmem>>, %arg6: memref<128x64xf32, #tpu.memory_space<vmem>>, %arg7: memref<!tpu.dma_semaphore, #tpu.memory_space<semaphore_mem>>) attributes {dimension_semantics = [#tpu.dimension_semantics<core_parallel>, #tpu.dimension_semantics<subcore_parallel>], iteration_bounds = array<i64: 2, 16>, scalar_prefetch = 0 : i64, scratch_operands = 3 : i64, tpu.core_type = #tpu.core_type<sc_vector_subcore>, window_params = [{transform_indices = #map}, {transform_indices = #map}, {transform_indices = #map}]} {
    %mul3A = arith.constant 2 : i32
    %mul3A_0 = arith.muli %arg1, %mul3A : i32
    %add3A = arith.addi %mul3A_0, %arg0 : i32
    %mul3A_1 = arith.constant 88 : i32
    %mul3A_2 = arith.muli %add3A, %mul3A_1 : i32
    "tpu.region"() ({
      %run_scoped3A = tpu.sem_alloc : memref<!tpu.dma_semaphore, #tpu.memory_space<semaphore_mem>>
      %dma_start3A = arith.constant 0 : i32
      %dma_start3A_10 = tpu.memref_slice %arg2[%mul3A_2, %dma_start3A] : memref<2816x128xi32, #tpu.memory_space<hbm>> -> memref<88x128xi32, #tpu.memory_space<hbm>>
      %dma_start3A_11 = arith.constant 0 : i32
      %dma_start3A_12 = tpu.memref_slice %arg2[%mul3A_2, %dma_start3A_11] : memref<2816x128xi32, #tpu.memory_space<hbm>> -> memref<88x128xi32, #tpu.memory_space<hbm>>
      tpu.enqueue_dma source(%dma_start3A_12 : memref<88x128xi32, #tpu.memory_space<hbm>>) target(%arg5 : memref<88x128xi32, #tpu.memory_space<vmem>>) target_semaphore(%run_scoped3A : memref<!tpu.dma_semaphore, #tpu.memory_space<semaphore_mem>>)
      %dma_wait3A = arith.constant 0 : i32
      %dma_wait3A_13 = tpu.memref_slice %arg2[%mul3A_2, %dma_wait3A] : memref<2816x128xi32, #tpu.memory_space<hbm>> -> memref<88x128xi32, #tpu.memory_space<hbm>>
      %dma_wait3A_14 = arith.constant 0 : i32
      %dma_wait3A_15 = tpu.memref_slice %arg2[%mul3A_2, %dma_wait3A_14] : memref<2816x128xi32, #tpu.memory_space<hbm>> -> memref<88x128xi32, #tpu.memory_space<hbm>>
      tpu.wait_dma2 semaphore(%run_scoped3A : memref<!tpu.dma_semaphore, #tpu.memory_space<semaphore_mem>>) src(%dma_wait3A_15 : memref<88x128xi32, #tpu.memory_space<hbm>>) dst(%arg5 : memref<88x128xi32, #tpu.memory_space<vmem>>)
      tpu.yield
    }) : () -> ()
    %mul3A_3 = arith.constant 11264 : i32
    %mul3A_4 = arith.muli %add3A, %mul3A_3 : i32
    %scan3A = arith.constant 0 : i32
    %scan3A_5 = arith.constant 0 : i32
    %scan3A_6 = arith.constant 88 : i32
    %scan3A_7 = arith.addi %scan3A_5, %scan3A_6 : i32
    %scan3A_8 = arith.constant 1 : i32
    scf.for %scan3A_10 = %scan3A_5 to %scan3A_7 step %scan3A_8  : i32 {
      %dma_start3A = arith.constant 0 : i32
      %dma_start3A_11 = tpu.memref_slice %arg5[%scan3A_10, %dma_start3A] : memref<88x128xi32, #tpu.memory_space<vmem>> -> memref<1x128xi32, #tpu.memory_space<vmem>>
      %dma_start3A_12 = tpu.memref_squeeze %dma_start3A_11 : memref<1x128xi32, #tpu.memory_space<vmem>> -> memref<128xi32, #tpu.memory_space<vmem>>
      %dma_start3A_13 = arith.constant 0 : i32
      %dma_start3A_14 = arith.constant 0 : i32
      %dma_start3A_15 = tpu.memref_slice %arg3[%dma_start3A_13, %dma_start3A_14] : memref<1015808x64xf32, #tpu.memory_space<hbm>> -> memref<1015808x64xf32, #tpu.memory_space<hbm>>
      tpu.enqueue_indirect_dma source(%dma_start3A_15 : memref<1015808x64xf32, #tpu.memory_space<hbm>>) target(%arg6 : memref<128x64xf32, #tpu.memory_space<vmem>>) offsets(%dma_start3A_12 : memref<128xi32, #tpu.memory_space<vmem>>) semaphore(%arg7 : memref<!tpu.dma_semaphore, #tpu.memory_space<semaphore_mem>>)
      %dma_wait3A = arith.constant 0 : i32
      %dma_wait3A_16 = tpu.memref_slice %arg5[%scan3A_10, %dma_wait3A] : memref<88x128xi32, #tpu.memory_space<vmem>> -> memref<1x128xi32, #tpu.memory_space<vmem>>
      %dma_wait3A_17 = tpu.memref_squeeze %dma_wait3A_16 : memref<1x128xi32, #tpu.memory_space<vmem>> -> memref<128xi32, #tpu.memory_space<vmem>>
      %dma_wait3A_18 = arith.constant 0 : i32
      %dma_wait3A_19 = arith.constant 0 : i32
      %dma_wait3A_20 = tpu.memref_slice %arg3[%dma_wait3A_18, %dma_wait3A_19] : memref<1015808x64xf32, #tpu.memory_space<hbm>> -> memref<1015808x64xf32, #tpu.memory_space<hbm>>
      tpu.wait_indirect_dma semaphore(%arg7 : memref<!tpu.dma_semaphore, #tpu.memory_space<semaphore_mem>>) src(%dma_wait3A_20 : memref<1015808x64xf32, #tpu.memory_space<hbm>>) dst(%arg6 : memref<128x64xf32, #tpu.memory_space<vmem>>)
      %mul3A_21 = arith.constant 128 : i32
      %mul3A_22 = arith.muli %scan3A_10, %mul3A_21 : i32
      %add3A_23 = arith.addi %mul3A_4, %mul3A_22 : i32
      "tpu.region"() ({
        %run_scoped3A = tpu.sem_alloc : memref<!tpu.dma_semaphore, #tpu.memory_space<semaphore_mem>>
        %dma_start3A_24 = arith.constant 0 : i32
        %dma_start3A_25 = tpu.memref_slice %arg4[%add3A_23, %dma_start3A_24] : memref<360448x64xf32, #tpu.memory_space<hbm>> -> memref<128x64xf32, #tpu.memory_space<hbm>>
        %dma_start3A_26 = arith.constant 0 : i32
        %dma_start3A_27 = tpu.memref_slice %arg4[%add3A_23, %dma_start3A_26] : memref<360448x64xf32, #tpu.memory_space<hbm>> -> memref<128x64xf32, #tpu.memory_space<hbm>>
        tpu.enqueue_dma source(%arg6 : memref<128x64xf32, #tpu.memory_space<vmem>>) target(%dma_start3A_27 : memref<128x64xf32, #tpu.memory_space<hbm>>) target_semaphore(%run_scoped3A : memref<!tpu.dma_semaphore, #tpu.memory_space<semaphore_mem>>)
        %dma_wait3A_28 = arith.constant 0 : i32
        %dma_wait3A_29 = tpu.memref_slice %arg4[%add3A_23, %dma_wait3A_28] : memref<360448x64xf32, #tpu.memory_space<hbm>> -> memref<128x64xf32, #tpu.memory_space<hbm>>
        %dma_wait3A_30 = arith.constant 0 : i32
        %dma_wait3A_31 = tpu.memref_slice %arg4[%add3A_23, %dma_wait3A_30] : memref<360448x64xf32, #tpu.memory_space<hbm>> -> memref<128x64xf32, #tpu.memory_space<hbm>>
        tpu.wait_dma2 semaphore(%run_scoped3A : memref<!tpu.dma_semaphore, #tpu.memory_space<semaphore_mem>>) src(%arg6 : memref<128x64xf32, #tpu.memory_space<vmem>>) dst(%dma_wait3A_31 : memref<128x64xf32, #tpu.memory_space<hbm>>)
        tpu.yield
      }) : () -> ()
    }
    %scan3A_9 = arith.constant 88 : i32
    return
  }
}

module attributes {stable_mosaic.version = 14 : i64} {
  func.func @body(%arg0: i32, %arg1: memref<64x8192xf32, #tpu.memory_space<vmem>>, %arg2: memref<64x8192xf32, #tpu.memory_space<vmem>>, %arg3: memref<8192x128xf32, #tpu.memory_space<vmem>>) attributes {dimension_semantics = [#tpu.dimension_semantics<arbitrary>], iteration_bounds = array<i64: 62>, scalar_prefetch = 0 : i64, scratch_operands = 0 : i64, tpu.core_type = #tpu.core_type<tc>, window_params = [{transform_indices = @transform_0, window_bounds = array<i64: 64, 8192>}, {transform_indices = @transform_1, window_bounds = array<i64: 64, 8192>}, {transform_indices = @transform_2, window_bounds = array<i64: 8192, 128>}]} {
    %get3A = arith.constant 0 : index
    %get3A_0 = arith.constant 0 : index
    %get3A_1 = vector.load %arg1[%get3A, %get3A_0] : memref<64x8192xf32, #tpu.memory_space<vmem>>, vector<64x8192xf32>
    %transpose3A = tpu.transpose %get3A_1, [1, 0] : vector<64x8192xf32> -> vector<8192x64xf32>
    %swap3A = arith.constant 0 : index
    %swap3A_2 = arith.constant 0 : index
    %swap3A_3 = vector.load %arg3[%swap3A, %swap3A_2] : memref<8192x128xf32, #tpu.memory_space<vmem>>, vector<8192x64xf32>
    tpu.vector_store %arg3[%swap3A, %swap3A_2], %transpose3A {strides = array<i32>} : memref<8192x128xf32, #tpu.memory_space<vmem>>, vector<8192x64xf32>,
    %get3A_4 = arith.constant 0 : index
    %get3A_5 = arith.constant 0 : index
    %get3A_6 = vector.load %arg2[%get3A_4, %get3A_5] : memref<64x8192xf32, #tpu.memory_space<vmem>>, vector<64x8192xf32>
    %transpose3A_7 = tpu.transpose %get3A_6, [1, 0] : vector<64x8192xf32> -> vector<8192x64xf32>
    %swap3A_8 = arith.constant 0 : index
    %swap3A_9 = arith.constant 64 : index
    %swap3A_10 = vector.load %arg3[%swap3A_8, %swap3A_9] : memref<8192x128xf32, #tpu.memory_space<vmem>>, vector<8192x64xf32>
    tpu.vector_store %arg3[%swap3A_8, %swap3A_9], %transpose3A_7 {strides = array<i32>} : memref<8192x128xf32, #tpu.memory_space<vmem>>, vector<8192x64xf32>,
    return
  }
  func.func @transform_0(%arg0: i32) -> (i32, i32) {
    %mul3A = arith.constant 2 : i32
    %mul3A_0 = arith.muli %mul3A, %arg0 : i32
    %min3A = arith.constant 122 : i32
    %min3A_1 = arith.minsi %mul3A_0, %min3A : i32
    %c0_i32 = arith.constant 0 : i32
    %c0_i32_2 = arith.constant 0 : i32
    return %c0_i32, %min3A_1 : i32, i32
  }
  func.func @transform_1(%arg0: i32) -> (i32, i32) {
    %mul3A = arith.constant 2 : i32
    %mul3A_0 = arith.muli %mul3A, %arg0 : i32
    %add3A = arith.constant 1 : i32
    %add3A_1 = arith.addi %mul3A_0, %add3A : i32
    %min3A = arith.constant 122 : i32
    %min3A_2 = arith.minsi %add3A_1, %min3A : i32
    %c0_i32 = arith.constant 0 : i32
    %c0_i32_3 = arith.constant 0 : i32
    return %c0_i32, %min3A_2 : i32, i32
  }
  func.func @transform_2(%arg0: i32) -> (i32, i32) {
    %c0_i32 = arith.constant 0 : i32
    %c0_i32_0 = arith.constant 0 : i32
    return %arg0, %c0_i32 : i32, i32
  }
}

module attributes {stable_mosaic.version = 14 : i64} {
  func.func @_score_body(%arg0: i32, %arg1: memref<20x512x128xf32, #tpu.memory_space<vmem>>, %arg2: memref<1x512x128xf32, #tpu.memory_space<vmem>>, %arg3: memref<1x512x128xf32, #tpu.memory_space<vmem>>, %arg4: memref<64x64xf32, #tpu.memory_space<vmem>>, %arg5: memref<1x1xf32, #tpu.memory_space<vmem>>) attributes {dimension_semantics = [#tpu.dimension_semantics<arbitrary>], iteration_bounds = array<i64: 16>, scalar_prefetch = 0 : i64, scratch_operands = 0 : i64, tpu.core_type = #tpu.core_type<tc>, window_params = [{transform_indices = @transform_0, window_bounds = array<i64: 20, 512, 128>}, {transform_indices = @transform_1, window_bounds = array<i64: 1, 512, 128>}, {transform_indices = @transform_2, window_bounds = array<i64: 1, 512, 128>}, {pipeline_mode = #tpu.pipeline_mode<synchronous>, transform_indices = @transform_3, window_bounds = array<i64: 64, 64>}, {pipeline_mode = #tpu.pipeline_mode<synchronous>, transform_indices = @transform_4, window_bounds = array<i64: 1, 1>}]} {
    %iota3A = tpu.iota {dimensions = array<i32: 0>} : vector<128x2xi32>
    %lt3A = arith.constant 64 : i32
    %lt3A_0 = vector.broadcast %lt3A : i32 to vector<128x2xi32>
    %lt3A_1 = arith.cmpi slt, %iota3A, %lt3A_0 : vector<128x2xi32>
    %iota3A_2 = tpu.iota {dimensions = array<i32: 1>} : vector<128x2xi32>
    %eq3A = arith.constant 0 : i32
    %eq3A_3 = vector.broadcast %eq3A : i32 to vector<128x2xi32>
    %eq3A_4 = arith.cmpi eq, %iota3A_2, %eq3A_3 : vector<128x2xi32>
    %eq3A_5 = arith.xori %lt3A_1, %eq3A_4 : vector<128x2xi1>
    %eq3A_6 = arith.constant dense<true> : vector<128x2xi1>
    %eq3A_7 = arith.xori %eq3A_5, %eq3A_6 : vector<128x2xi1>
    %jit3A = arith.constant 1.000000e+00 : f32
    %jit3A_8 = arith.constant 0.000000e+00 : f32
    %broadcast_in_dim3A = vector.broadcast %jit3A : f32 to vector<128x2xf32>
    %broadcast_in_dim3A_9 = vector.broadcast %jit3A_8 : f32 to vector<128x2xf32>
    %select_n3A = arith.select %eq3A_7, %broadcast_in_dim3A, %broadcast_in_dim3A_9 : vector<128x2xi1>, vector<128x2xf32>
    %get3A = arith.constant 0 : index
    %get3A_10 = arith.constant 0 : index
    %get3A_11 = vector.load %arg4[%get3A, %get3A_10] : memref<64x64xf32, #tpu.memory_space<vmem>>, vector<64x64xf32>
    %get3A_12 = arith.constant 0 : index
    %get3A_13 = arith.constant 0 : index
    %get3A_14 = arith.constant 0 : index
    %get3A_15 = vector.load %arg2[%get3A_12, %get3A_13, %get3A_14] : memref<1x512x128xf32, #tpu.memory_space<vmem>>, vector<1x512x128xf32>
    %get3A_16 = vector.shape_cast %get3A_15 : vector<1x512x128xf32> to vector<512x128xf32>
    %slice3A = vector.extract_strided_slice %get3A_16 {offsets = [0, 0], sizes = [512, 64], strides = [1, 1]} : vector<512x128xf32> to vector<512x64xf32>
    %dot_general3A = arith.constant dense<0.000000e+00> : vector<512x64xf32>
    %dot_general3A_17 = tpu.matmul %slice3A, %get3A_11, %dot_general3A {dimension_numbers = #tpu.dot_dimension_numbers<[1], [0], [0], [1], [0, 0, 1, 1], [], []>, transpose_lhs_hint = false} : vector<512x64xf32>, vector<64x64xf32>, vector<512x64xf32> -> vector<512x64xf32>
    %slice3A_18 = vector.extract_strided_slice %get3A_16 {offsets = [0, 64], sizes = [512, 64], strides = [1, 1]} : vector<512x128xf32> to vector<512x64xf32>
    %dot_general3A_19 = arith.constant dense<0.000000e+00> : vector<512x64xf32>
    %dot_general3A_20 = tpu.matmul %slice3A_18, %get3A_11, %dot_general3A_19 {dimension_numbers = #tpu.dot_dimension_numbers<[1], [0], [0], [1], [0, 0, 1, 1], [], []>, transpose_lhs_hint = false} : vector<512x64xf32>, vector<64x64xf32>, vector<512x64xf32> -> vector<512x64xf32>
    %concatenate3A = tpu.concatenate %dot_general3A_17, %dot_general3A_20 in 1 : vector<512x64xf32>, vector<512x64xf32> -> vector<512x128xf32>
    %get3A_21 = arith.constant 0 : index
    %get3A_22 = arith.constant 0 : index
    %get3A_23 = arith.constant 0 : index
    %get3A_24 = vector.load %arg3[%get3A_21, %get3A_22, %get3A_23] : memref<1x512x128xf32, #tpu.memory_space<vmem>>, vector<1x512x128xf32>
    %get3A_25 = vector.shape_cast %get3A_24 : vector<1x512x128xf32> to vector<512x128xf32>
    %mul3A = arith.mulf %get3A_25, %concatenate3A : vector<512x128xf32>
    %dot_general3A_26 = arith.constant dense<0.000000e+00> : vector<512x2xf32>
    %dot_general3A_27 = tpu.matmul %mul3A, %select_n3A, %dot_general3A_26 {dimension_numbers = #tpu.dot_dimension_numbers<[1], [0], [0], [1], [0, 0, 1, 1], [], []>, transpose_lhs_hint = false} : vector<512x128xf32>, vector<128x2xf32>, vector<512x2xf32> -> vector<512x2xf32>
    %get3A_28 = arith.constant 0 : index
    %get3A_29 = arith.constant 0 : index
    %get3A_30 = arith.constant 0 : index
    %get3A_31 = vector.load %arg1[%get3A_28, %get3A_29, %get3A_30] : memref<20x512x128xf32, #tpu.memory_space<vmem>>, vector<20x512x128xf32>
    %broadcast_in_dim3A_32 = vector.shape_cast %concatenate3A : vector<512x128xf32> to vector<1x512x128xf32>
    %mul3A_33 = vector.broadcast %broadcast_in_dim3A_32 : vector<1x512x128xf32> to vector<20x512x128xf32>
    %mul3A_34 = arith.mulf %get3A_31, %mul3A_33 : vector<20x512x128xf32>
    %reshape3A = vector.shape_cast %mul3A_34 : vector<20x512x128xf32> to vector<10240x128xf32>
    %dot_general3A_35 = arith.constant dense<0.000000e+00> : vector<10240x2xf32>
    %dot_general3A_36 = tpu.matmul %reshape3A, %select_n3A, %dot_general3A_35 {dimension_numbers = #tpu.dot_dimension_numbers<[1], [0], [0], [1], [0, 0, 1, 1], [], []>, transpose_lhs_hint = false} : vector<10240x128xf32>, vector<128x2xf32>, vector<10240x2xf32> -> vector<10240x2xf32>
    %jit3A_37 = arith.constant -1.000000e+01 : f32
    %jit3A_38 = arith.constant 1.000000e+01 : f32
    %max3A = vector.broadcast %jit3A_37 : f32 to vector<512x2xf32>
    %max3A_39 = arith.maximumf %max3A, %dot_general3A_27 : vector<512x2xf32>
    %min3A = vector.broadcast %jit3A_38 : f32 to vector<512x2xf32>
    %min3A_40 = arith.minimumf %min3A, %max3A_39 : vector<512x2xf32>
    %neg3A = arith.constant 0.000000e+00 : f32
    %neg3A_41 = vector.broadcast %neg3A : f32 to vector<512x2xf32>
    %neg3A_42 = arith.subf %neg3A_41, %min3A_40 : vector<512x2xf32>
    %custom_jvp_call3A = arith.constant 0.000000e+00 : f32
    %max3A_43 = vector.broadcast %custom_jvp_call3A : f32 to vector<512x2xf32>
    %max3A_44 = arith.maximumf %neg3A_42, %max3A_43 : vector<512x2xf32>
    %sub3A = vector.broadcast %custom_jvp_call3A : f32 to vector<512x2xf32>
    %sub3A_45 = arith.subf %neg3A_42, %sub3A : vector<512x2xf32>
    %ne3A = arith.cmpf one, %sub3A_45, %sub3A_45 : vector<512x2xf32>
    %add3A = vector.broadcast %custom_jvp_call3A : f32 to vector<512x2xf32>
    %add3A_46 = arith.addf %neg3A_42, %add3A : vector<512x2xf32>
    %abs3A = math.absf %sub3A_45 : vector<512x2xf32>
    %neg3A_47 = arith.constant 0.000000e+00 : f32
    %neg3A_48 = vector.broadcast %neg3A_47 : f32 to vector<512x2xf32>
    %neg3A_49 = arith.subf %neg3A_48, %abs3A : vector<512x2xf32>
    %exp3A = math.exp %neg3A_49 : vector<512x2xf32>
    %log1p3A = math.log1p %exp3A : vector<512x2xf32>
    %add3A_50 = arith.addf %max3A_44, %log1p3A : vector<512x2xf32>
    %select_n3A_51 = arith.select %ne3A, %add3A_46, %add3A_50 : vector<512x2xi1>, vector<512x2xf32>
    %reduce_sum3A = vector.shape_cast %select_n3A_51 : vector<512x2xf32> to vector<1x512x2xf32>
    %reduce_sum3A_52 = arith.constant dense<0.000000e+00> : vector<1xf32>
    %reduce_sum3A_53 = vector.multi_reduction <add>, %reduce_sum3A, %reduce_sum3A_52 [1, 2] : vector<1x512x2xf32> to vector<1xf32>
    %reduce_sum3A_54 = vector.shape_cast %reduce_sum3A_53 : vector<1xf32> to vector<1x1x1xf32>
    %reduce_sum3A_55 = vector.extract %reduce_sum3A_54[0, 0, 0] : f32 from vector<1x1x1xf32>
    %jit3A_56 = arith.constant -1.000000e+01 : f32
    %jit3A_57 = arith.constant 1.000000e+01 : f32
    %max3A_58 = vector.broadcast %jit3A_56 : f32 to vector<10240x2xf32>
    %max3A_59 = arith.maximumf %max3A_58, %dot_general3A_36 : vector<10240x2xf32>
    %min3A_60 = vector.broadcast %jit3A_57 : f32 to vector<10240x2xf32>
    %min3A_61 = arith.minimumf %min3A_60, %max3A_59 : vector<10240x2xf32>
    %custom_jvp_call3A_62 = arith.constant 0.000000e+00 : f32
    %max3A_63 = vector.broadcast %custom_jvp_call3A_62 : f32 to vector<10240x2xf32>
    %max3A_64 = arith.maximumf %min3A_61, %max3A_63 : vector<10240x2xf32>
    %sub3A_65 = vector.broadcast %custom_jvp_call3A_62 : f32 to vector<10240x2xf32>
    %sub3A_66 = arith.subf %min3A_61, %sub3A_65 : vector<10240x2xf32>
    %ne3A_67 = arith.cmpf one, %sub3A_66, %sub3A_66 : vector<10240x2xf32>
    %add3A_68 = vector.broadcast %custom_jvp_call3A_62 : f32 to vector<10240x2xf32>
    %add3A_69 = arith.addf %min3A_61, %add3A_68 : vector<10240x2xf32>
    %abs3A_70 = math.absf %sub3A_66 : vector<10240x2xf32>
    %neg3A_71 = arith.constant 0.000000e+00 : f32
    %neg3A_72 = vector.broadcast %neg3A_71 : f32 to vector<10240x2xf32>
    %neg3A_73 = arith.subf %neg3A_72, %abs3A_70 : vector<10240x2xf32>
    %exp3A_74 = math.exp %neg3A_73 : vector<10240x2xf32>
    %log1p3A_75 = math.log1p %exp3A_74 : vector<10240x2xf32>
    %add3A_76 = arith.addf %max3A_64, %log1p3A_75 : vector<10240x2xf32>
    %select_n3A_77 = arith.select %ne3A_67, %add3A_69, %add3A_76 : vector<10240x2xi1>, vector<10240x2xf32>
    %reduce_sum3A_78 = vector.shape_cast %select_n3A_77 : vector<10240x2xf32> to vector<1x10240x2xf32>
    %reduce_sum3A_79 = arith.constant dense<0.000000e+00> : vector<1xf32>
    %reduce_sum3A_80 = vector.multi_reduction <add>, %reduce_sum3A_78, %reduce_sum3A_79 [1, 2] : vector<1x10240x2xf32> to vector<1xf32>
    %reduce_sum3A_81 = vector.shape_cast %reduce_sum3A_80 : vector<1xf32> to vector<1x1x1xf32>
    %reduce_sum3A_82 = vector.extract %reduce_sum3A_81[0, 0, 0] : f32 from vector<1x1x1xf32>
    %add3A_83 = arith.addf %reduce_sum3A_55, %reduce_sum3A_82 : f32
    %mul3A_84 = arith.constant 6.10351563E-5 : f32
    %mul3A_85 = arith.mulf %add3A_83, %mul3A_84 : f32
    %broadcast_in_dim3A_86 = vector.broadcast %mul3A_85 : f32 to vector<1x1xf32>
    %eq3A_87 = arith.constant 0 : i32
    %eq3A_88 = arith.cmpi eq, %arg0, %eq3A_87 : i32
    %convert_element_type3A = arith.extui %eq3A_88 : i1 to i32
    %cond3A = arith.constant 0 : i32
    %cond3A_89 = arith.cmpi ne, %convert_element_type3A, %cond3A : i32
    scf.if %cond3A_89 {
      %swap3A = arith.constant 0 : index
      %swap3A_94 = arith.constant 0 : index
      %swap3A_95 = vector.load %arg5[%swap3A, %swap3A_94] : memref<1x1xf32, #tpu.memory_space<vmem>>, vector<1x1xf32>
      tpu.vector_store %arg5[%swap3A, %swap3A_94], %broadcast_in_dim3A_86 {strides = array<i32>} : memref<1x1xf32, #tpu.memory_space<vmem>>, vector<1x1xf32>,
    } else {
    }
    %gt3A = arith.constant 0 : i32
    %gt3A_90 = arith.cmpi sgt, %arg0, %gt3A : i32
    %convert_element_type3A_91 = arith.extui %gt3A_90 : i1 to i32
    %cond3A_92 = arith.constant 0 : i32
    %cond3A_93 = arith.cmpi ne, %convert_element_type3A_91, %cond3A_92 : i32
    scf.if %cond3A_93 {
      %get3A_94 = arith.constant 0 : index
      %get3A_95 = arith.constant 0 : index
      %get3A_96 = vector.load %arg5[%get3A_94, %get3A_95] : memref<1x1xf32, #tpu.memory_space<vmem>>, vector<1x1xf32>
      %add3A_97 = arith.addf %get3A_96, %broadcast_in_dim3A_86 : vector<1x1xf32>
      %swap3A = arith.constant 0 : index
      %swap3A_98 = arith.constant 0 : index
      %swap3A_99 = vector.load %arg5[%swap3A, %swap3A_98] : memref<1x1xf32, #tpu.memory_space<vmem>>, vector<1x1xf32>
      tpu.vector_store %arg5[%swap3A, %swap3A_98], %add3A_97 {strides = array<i32>} : memref<1x1xf32, #tpu.memory_space<vmem>>, vector<1x1xf32>,
    } else {
    }
    return
  }
  func.func @transform_0(%arg0: i32) -> (i32, i32, i32) {
    %c0_i32 = arith.constant 0 : i32
    %c0_i32_0 = arith.constant 0 : i32
    %c0_i32_1 = arith.constant 0 : i32
    return %c0_i32, %arg0, %c0_i32_0 : i32, i32, i32
  }
  func.func @transform_1(%arg0: i32) -> (i32, i32, i32) {
    %c20_i32 = arith.constant 20 : i32
    %c0_i32 = arith.constant 0 : i32
    %c0_i32_0 = arith.constant 0 : i32
    return %c20_i32, %arg0, %c0_i32 : i32, i32, i32
  }
  func.func @transform_2(%arg0: i32) -> (i32, i32, i32) {
    %c21_i32 = arith.constant 21 : i32
    %c0_i32 = arith.constant 0 : i32
    %c0_i32_0 = arith.constant 0 : i32
    return %c21_i32, %arg0, %c0_i32 : i32, i32, i32
  }
  func.func @transform_3(%arg0: i32) -> (i32, i32) {
    %c0_i32 = arith.constant 0 : i32
    %c0_i32_0 = arith.constant 0 : i32
    %c0_i32_1 = arith.constant 0 : i32
    return %c0_i32, %c0_i32_0 : i32, i32
  }
  func.func @transform_4(%arg0: i32) -> (i32, i32) {
    %c0_i32 = arith.constant 0 : i32
    %c0_i32_0 = arith.constant 0 : i32
    %c0_i32_1 = arith.constant 0 : i32
    return %c0_i32, %c0_i32_0 : i32, i32
  }
}

</mosaic_0001>

<sc_bundles>
// kernel: kernel.5.cloned.1.call-start
scs
__scs_entry_jumppad:
0x0: {  	(pc) =	sbr.rel $0x88, $3  }
0x1: {  	(tag) =	ssettag $0x0;
	lr =	simm.s32 $0x1  }
0x2: {  	[smem:$0x3F9C] =	sst lr;
	_ =	strace $0xD0000000  }
0x3: {  	_ = 	snop  }
0x4: {  	_ = 	snop  }
0x5: {  	_ = 	snop  }
0x6: {  	_ = 	snop  }
0x7: {  	_ = 	snop  }
__scs_overlays_trampoline_lowered:
0x8: {  	[smem:$0x3FAB] =	sst s0  }
0x9: {  	[smem:$0x3FAC] =	sst s1  }
0xa: {  	[smem:$0x3FAD] =	sst s2  }
0xb: {  	[smem:$0x3FAE] =	sst s3  }
0xc: {  	[smem:$0x3FAF] =	sst s4  }
0xd: {  	[smem:$0x3FB0] =	sst s5  }
0xe: {  	[smem:$0x3FB1] =	sst s6  }
0xf: {  	[smem:$0x3FB2] =	sst s7  }
0x10: {  	[smem:$0x3FB3] =	sst s8  }
0x11: {  	[smem:$0x3FB4] =	sst s9;
	s0 =	simm.s32 @!p0 $0x0  }
0x12: {  	s1 =	sld [smem:$0x3F9A];
	s0 =	simm.s32 @p0 $0x1  }
0x13: {  	[smem:$0x3FB5] =	sst s0;
	s0 =	simm.s32 @!p1 $0x0  }
0x14: {  	s2 =	sld [smem:$0x3F99];
	s0 =	simm.s32 @p1 $0x1  }
0x15: {  	[smem:$0x3FB6] =	sst s0;
	s0 =	simm.s32 @!p2 $0x0  }
0x16: {  	s3 =	sld [smem:$0x3FDB];
	s0 =	simm.s32 @p2 $0x1  }
0x17: {  	s4 =	simm.s32 $0x1BF5;
	[smem:$0x3FB8] =	sst s0  }
0x18: {  	s0 =	sld [smem:$0x3F9B];
	_ =	swait.ge [sflag:s4], $0x0  }
0x19: {  	s7 =	sld [smem:$0x3F9C]  }
0x1a: {  	s8 =	sadd.s32 $0xFFFFE003, lr  }
0x1b: {  	s9 =	sadd.s32 $0xFFFFFEF7, lr;
	s5 =	simm.s32 $0xFFFFFFFF;
	p2 =	slt.u32 s8, $0xFFFFF086  }
0x1c: {  	p1 =	slt.u32 s9, $0xF7A;
	s5 =	simm.s32 @!p2 $0x0  }
0x1d: {  	s5 =	simm.s32 @p1 $0x1;
	p0 =	seq.s32 s7, s2  }
0x1e: {  	s7 =	smul.u32 @!p0 $0xF7A, s2;
	p2 =	seq.s32 @!p0 s5, $0x0  }
0x1f: {  	s9 =	smul.u32 $0xF7A, s1;
	s8 =	simm.s32 @!p0 $0x1BF5;
	p2 =	por !p2, p0  }
0x20: {  	[sflag:s8] =	ssyncset.s32 @!p0 $0xFFFFF086;
	s6 =	sadd.s32 @!p0 s3, s7;
	s7 =	simm.s32 @!p0 $0x108  }
0x21: {  	s3 =	sadd.s32 s3, s9;
	s6 =	sadd.s32 @!p0 $0x88, s6;
	s7 =	simm.s32 @p2 $0x1082  }
0x22: {  	[simem:s7], [sflag:s8] =	dma.local @!p0 [hbm:s6], $0xF7A  }
0x23: {  	s9 =	sor.u32 $0xD0000000, s2;
	s6 =	simm.s32 $0x108;
	_ =	swait.ge @!p0 [sflag:s8], $0x0  }
0x24: {  	s3 =	sadd.s32 $0x88, s3;
	s6 =	simm.s32 @!p1 $0x1082;
	[sflag:s4] =	ssyncset.s32 $0xFFFFF086  }
0x25: {  	[simem:s6], [sflag:s4] =	dma.local [hbm:s3], $0xF7A  }
0x26: {  	[smem:$0x3F9C] =	sst s1;
	(tag) =	ssettag s2;
	_ =	strace s9  }
0x27: {  	s1 =	sld [smem:$0x3FAC]  }
0x28: {  	s2 =	sld [smem:$0x3FAD]  }
0x29: {  	s4 =	sld [smem:$0x3FAF]  }
0x2a: {  	p0 =	seq.s32 s5, $0x0;
	s5 =	sld [smem:$0x3FB0]  }
0x2b: {  	s6 =	sld [smem:$0x3FB1]  }
0x2c: {  	s7 =	sld [smem:$0x3FB2]  }
0x2d: {  	s3 =	simm.s32 $0x108;
	s8 =	sld [smem:$0x3FB3]  }
0x2e: {  	s3 =	simm.s32 @!p0 $0x1082;
	s9 =	sld [smem:$0x3FB4]  }
0x2f: {  	lr =	sadd.s32 s0, s3;
	s0 =	sld [smem:$0x3FAB]  }
0x30: {  	s3 =	sld [smem:$0x3FAE]  }
0x31: {  	[smem:$0x3FB7] =	sst s10  }
0x32: {  	s10 =	sld [smem:$0x3FB5];
	_ =	sdelay $0x3  }
0x33: {  	p0 =	seq.s32 s10, $0x1;
	s10 =	sld [smem:$0x3FB7];
	_ =	sdelay $0x3  }
0x34: {  	[smem:$0x3FB7] =	sst s10  }
0x35: {  	s10 =	sld [smem:$0x3FB6];
	_ =	sdelay $0x3  }
0x36: {  	p1 =	seq.s32 s10, $0x1;
	s10 =	sld [smem:$0x3FB7];
	_ =	sdelay $0x3  }
0x37: {  	[smem:$0x3FB7] =	sst s10  }
0x38: {  	s10 =	sld [smem:$0x3FB8]  }
0x39: {  	_ = 	snop;
	(pc) =	sbr.ind lr, $3  }
0x3a: {  	_ = 	snop  }
0x3b: {  	_ = 	snop  }
0x3c: {  	p2 =	seq.s32 s10, $0x1;
	s10 =	sld [smem:$0x3FB7]  }
0x3d: {  	_ =	shalt  }
0x3e: {  	_ =	shalt  }
0x3f: {  	_ =	shalt  }
0x40: {  	_ =	shalt  }
0x41: {  	_ =	shalt  }
0x42: {  	_ =	shalt  }
0x43: {  	_ =	shalt  }
0x44: {  	_ =	shalt  }
0x45: {  	_ =	shalt  }
0x46: {  	_ =	shalt  }
0x47: {  	_ =	shalt  }
0x48: {  	_ =	shalt  }
0x49: {  	_ =	shalt  }
0x4a: {  	_ =	shalt  }
0x4b: {  	_ =	shalt  }
0x4c: {  	_ =	shalt  }
0x4d: {  	_ =	shalt  }
0x4e: {  	_ =	shalt  }
0x4f: {  	_ =	shalt  }
0x50: {  	_ =	shalt  }
0x51: {  	_ =	shalt  }
0x52: {  	_ =	shalt  }
0x53: {  	_ =	shalt  }
0x54: {  	_ =	shalt  }
0x55: {  	_ =	shalt  }
0x56: {  	_ =	shalt  }
0x57: {  	_ =	shalt  }
0x58: {  	_ =	shalt  }
0x59: {  	_ =	shalt  }
0x5a: {  	_ =	shalt  }
0x5b: {  	_ =	shalt  }
0x5c: {  	_ =	shalt  }
0x5d: {  	_ =	shalt  }
0x5e: {  	_ =	shalt  }
0x5f: {  	_ =	shalt  }
0x60: {  	_ =	shalt  }
0x61: {  	_ =	shalt  }
0x62: {  	_ =	shalt  }
0x63: {  	_ =	shalt  }
0x64: {  	_ =	shalt  }
0x65: {  	_ =	shalt  }
0x66: {  	_ =	shalt  }
0x67: {  	_ =	shalt  }
0x68: {  	_ =	shalt  }
0x69: {  	_ =	shalt  }
0x6a: {  	_ =	shalt  }
0x6b: {  	_ =	shalt  }
0x6c: {  	_ =	shalt  }
0x6d: {  	_ =	shalt  }
0x6e: {  	_ =	shalt  }
0x6f: {  	_ =	shalt  }
0x70: {  	_ =	shalt  }
0x71: {  	_ =	shalt  }
0x72: {  	_ =	shalt  }
0x73: {  	_ =	shalt  }
0x74: {  	_ =	shalt  }
0x75: {  	_ =	shalt  }
0x76: {  	_ =	shalt  }
0x77: {  	_ =	shalt  }
0x78: {  	_ =	shalt  }
0x79: {  	_ =	shalt  }
0x7a: {  	_ =	shalt  }
0x7b: {  	_ =	shalt  }
0x7c: {  	_ =	shalt  }
0x7d: {  	_ =	shalt  }
0x7e: {  	_ =	shalt  }
0x7f: {  	_ =	shalt  }
0x80: {  	_ =	shalt  }
0x81: {  	_ =	shalt  }
0x82: {  	_ =	shalt  }
0x83: {  	_ =	shalt  }
0x84: {  	_ =	shalt  }
0x85: {  	_ =	shalt  }
0x86: {  	_ =	shalt  }
0x87: {  	_ =	shalt  }
.Lfunc_end0:
.L_simem_size_0:
called_computation_lowered:
.L_overlay_start_0:
0x88: {  	s2 =	sld [smem:$0x3FD9]  }
0x89: {  	s3 =	sld [smem:$0x3FFE];
	_ =	sdelay $0x1  }
0x8a: {  	s1 =	srdreg.scid  }
0x8b: {  	s0 =	sand.u32 $0x1, s1  }
0x8c: {  	s16 =	sshll.u32 s0, $0xA;
	s2 =	sadd.s32 s3, s2  }
0x8d: {  	s2 =	sadd.s32 s2, s16  }
0x8e: {  	[smem:$0x3FC3] =	sst s2  }
0x8f: {  	_ = 	snop  }
0x90: {  	(tm) =	ssettm $0x1  }
0x91: {  	s17 =	sld [smem:$0x3FFB];
	_ =	sdelay $0x3  }
0x92: {  	_ =	strace s17  }
0x93: {  	s2 =	sld [smem:$0x3FFC];
	_ =	sdelay $0x3  }
0x94: {  	_ =	strace s2  }
0x95: {  	s2 =	sld [smem:$0x3FFD];
	_ =	sdelay $0x3  }
0x96: {  	_ =	strace s2  }
0x97: {  	_ =	strace $0x8FFFFFFF  }
0x98: {  	s18 =	sld [smem:$0x3FDB];
	_ =	sdelay $0x1  }
0x99: {  	s19 =	simm.s32 $_scs_section_size  }
0x9a: {  	s4 =	simm.s32 $_size__tile_overlayer_lowered;
	s5 =	simm.s32 $_tile_overlayer_lowered  }
0x9b: {  	s22 =	simm.s32 $0x1BFF;
	s21 =	sshll.u32 s5, $0x1;
	s2 =	sadd.s32 s19, s18  }
0x9c: {  	s6 =	simm.s32 $0x0;
	s20 =	sshll.u32 s4, $0x1;
	s4 =	sadd.s32 s21, s2  }
0x9d: {  	[timem:s6], [sflag:s22] =	dma.local [hbm:s4], s20  }
0x9e: {  	_ =	swait.ge [sflag:s22], s20  }
0x9f: {  	s3 =	ssub.s32 $0x0, s20;
	[sflag:s22] =	ssyncset.done $0x0  }
0xa0: {  	[sflag:s22] =	ssyncadd.s32 s3;
	_ =	sdelay $0x1  }
0xa1: {  	s23 =	simm.s32 $0x1B8B  }
0xa2: {  	_ =	swait.ge [sflag:s23], $0x1  }
0xa3: {  	[sflag:s23] =	ssyncset.done $0x0  }
0xa4: {  	s25 =	simm.s32 $0x1B8E;
	s24 =	sld [smem:$0x3FFE];
	[sflag:s23] =	ssyncadd.s32 $0xFFFFFFFF  }
0xa5: {  	s26 =	simm.s32 $execute0_lowered;
	[smem:$0x3FD2] =	sst s25  }
0xa6: {  	s4 =	sshll.u32 s26, $0x1;
	_ =	strace $0x80000046;
	[dreg:$0x1] =	wrdreg $0xFFFFFFFF  }
0xa7: {  	s28 =	simm.s32 $_size_execute0_lowered;
	s2 =	sadd.s32 s2, s4;
	[dreg:$0x0] =	wrdreg $0x0  }
0xa8: {  	s4 =	sshll.u32 s28, $0x1;
	[dreg:$0x2] =	wrdreg s2  }
0xa9: {  	[dreg:$0x3] =	wrdreg s4  }
0xaa: {  	[dreg:$0x4] =	wrdreg $0xC0  }
0xab: {  	_ =	task [dreg:s6], $0x5FFFF  }
0xac: {  	[dreg:$0x1] =	wrdreg $0xFFFFFFFF  }
0xad: {  	[dreg:$0x0] =	wrdreg $0x60  }
0xae: {  	[dreg:$0x2] =	wrdreg s24  }
0xaf: {  	[dreg:$0x3] =	wrdreg $0x9  }
0xb0: {  	_ =	task.clear_ibuf [dreg:s6], $0x4FFFF;
	_ =	strace $0x90000046  }
0xb1: {  	s29 =	simm.s32 $0x9;
	_ =	strace $0x80000048  }
0xb2: {  	_ =	swait.ge [sflag:s29], $0x1  }
0xb3: {  	[sflag:s29] =	ssyncadd.s32 $0xFFFFFFFF  }
0xb4: {  	_ =	strace $0x90000048  }
0xb5: {  	_ =	sfence  }
0xb6: {  	s30 =	sld [smem:$0x0];
	_ =	sdelay $0x2  }
0xb7: {  	s31 =	sshll.u32 s1, $0xD;
	s1 =	sshrl.u32 s1, $0x2  }
0xb8: {  	s3 =	sand.u32 $0x4000, s31;
	s1 =	sadd.s32 s1, s30  }
0xb9: {  	s0 =	sor.u32 s3, s0;
	s1 =	sshll.u32 s1, $0x11  }
0xba: {  	s0 =	sor.u32 s1, s0  }
0xbb: {  	s0 =	sadd.s32 $0x8F2B, s0  }
0xbc: {  	[sflag:s0] =	ssyncadd.remote.s32 $0x1  }
0xbd: {  	_ =	sfence.sel $0xFFFF  }
0xbe: {  	[dreg:$0x0] =	wrdreg $0xFFFFFFFF;
	(pc) =	sbr.abs _section_cstart, $3  }
0xbf: {  	[dreg:$0x1] =	wrdreg $0xFFFFFFFF  }
0xc0: {  	_ =	task.clear_ibuf [dreg:s6], $0x2FFFF;
	_ =	strace $0x9FFFFFFF  }
0xc1: {  	(tm) =	ssettm $0x7FFFFFFF  }
tec
execute0_lowered:
.L_overlay_start_1:
0x0: {  	(tag) =	ssettag $0x1  }
0x1: {  	s1 =	srdreg.scid  }
0x2: {  	s0 =	stileid.u32;
	s4 =	rddreg [dreg:$0x0];
	s2 =	simm.s32 $0x0  }
0x3: {  	s10 =	simm.s32 $0x1;
	s3 =	sand.u32 $0x1, s1;
	s1 =	rddreg [dreg:$0x1]  }
0x4: {  	s11 =	simm.s32 $0x0;
	s5 =	sshll.u32 s0, $0x1;
	[smem:$0x7FF] =	sst s2  }
0x5: {  	s6 =	smul.u32 $0x2C000, s0;
	s5 =	sor.u32 s3, s5;
	_ =	strace $0x80000047  }
0x6: {  	s7 =	ssub.s32 $0x2, s3;
	s9 =	smul.u32 $0x16000, s3;
	s3 =	sadd.s32 $0xAA00, s4  }
0x7: {  	s5 =	smul.u32 $0x580, s5;
	s8 =	sshrl.u32 s7, $0x1;
	s6 =	sadd.s32 s6, s4  }
0x8: {  	s7 =	ssub.s32 s7, s8;
	s6 =	sadd.s32 s9, s6;
	s8 =	simm.s32 $0x80  }
0x9: {  	s9 =	simm.s32 $0x2C00;
	s5 =	sadd.s32 s5, s4;
	s6 =	sadd.s32 $0x7D5A00, s6  }
0xa: {  	s4 =	sadd.s32 $0x7CAA00, s5;
	s5 =	smax.u32 s7, $0x1;
	s7 =	simm.s32 $0x2  }
.LBB2_1:
0xb: {  	[tilespmem:s2], [sflag:$0x2] =	stream.linear.gather [hbm4b:s4+s2], $0x2C00, $0x38;
	[tilespmem:$0x4C00] =	vst v63  }
0xc: {  	_ =	swait.ge [sflag:s7], $0x2C00  }
0xd: {  	[sflag:s7] =	ssyncset.done $0x0  }
0xe: {  	s12 =	simm.s32 $0x0;
	[sflag:s7] =	ssyncadd.s32 $0xFFFFD400  }
0xf: {  	[tilespmem:s9], [sflag:$0x1] =	stream.indirect.gather [hbm4b:s3+s8], $0x40, s12, s8, $0xb8;
	[tilespmem:$0x4C00] =	vst v63  }
0x10: {  	_ =	swait.ge [sflag:s10], $0x2000  }
0x11: {  	[sflag:s10] =	ssyncset.done $0x0  }
0x12: {  	[sflag:s10] =	ssyncadd.s32 $0xFFFFE000  }
0x13: {  	[hbm4b:s6+s2] =	stream.linear.scatter [tilespmem:s9], [sflag:$0x2], $0x2000, $0x38;
	[tilespmem:$0x4C00] =	vst v63  }
0x14: {  	s13 =	simm.s32 $0x200;
	_ =	swait.ge [sflag:s7], $0x2000  }
0x15: {  	s14 =	simm.s32 $0x400;
	s12 =	sadd.s32 $0x400, s6;
	[sflag:s7] =	ssyncset.done $0x0  }
.LBB2_2:
0x16: {  	s15 =	sshra.s32 s13, $0x2  }
0x17: {  	[sflag:s7] =	ssyncadd.s32 $0xFFFFE000;
	s13 =	smov.u32 s14;
	s16 =	sadd.s32 $0x200, s14  }
0x18: {  	[tilespmem:s9], [sflag:$0x1] =	stream.indirect.gather [hbm4b:s3+s8], $0x40, s15, s8, $0xb8;
	[tilespmem:$0x4C00] =	vst v63  }
0x19: {  	p0 =	sne.s32 s14, $0xAE00;
	_ =	swait.ge [sflag:s10], $0x2000  }
.Ltmp0:
0x1a: {  	[sflag:s10] =	ssyncset.done $0x0;
	(pc) =	sbr.rel @p0 .LBB2_2-.Ltmp0, $4  }
0x1b: {  	[sflag:s10] =	ssyncadd.s32 $0xFFFFE000  }
0x1c: {  	[hbm4b:s12+s2] =	stream.linear.scatter [tilespmem:s9], [sflag:$0x2], $0x2000, $0x38;
	[tilespmem:$0x4C00] =	vst v63  }
0x1d: {  	_ =	swait.ge [sflag:s7], $0x2000  }
0x1e: {  	s14 =	smov.u32 s16;
	s12 =	sadd.s32 $0x400, s12;
	[sflag:s7] =	ssyncset.done $0x0  }
0x1f: {  	s13 =	sshra.s32 s13, $0x2;
	[sflag:s7] =	ssyncadd.s32 $0xFFFFE000  }
0x20: {  	[tilespmem:s9], [sflag:$0x1] =	stream.indirect.gather [hbm4b:s3+s8], $0x40, s13, s8, $0xb8;
	[tilespmem:$0x4C00] =	vst v63  }
0x21: {  	s11 =	sadd.s32 $0x1, s11;
	_ =	swait.ge [sflag:s10], $0x2000  }
0x22: {  	p0 =	sne.s32 s11, s5;
	[sflag:s10] =	ssyncset.done $0x0  }
.Ltmp1:
0x23: {  	[sflag:s10] =	ssyncadd.s32 $0xFFFFE000;
	(pc) =	sbr.rel @p0 .LBB2_1-.Ltmp1, $4  }
0x24: {  	[hbm4b:s12+s2] =	stream.linear.scatter [tilespmem:s9], [sflag:$0x2], $0x2000, $0x38;
	[tilespmem:$0x4C00] =	vst v63  }
0x25: {  	_ =	swait.ge [sflag:s7], $0x2000  }
0x26: {  	[sflag:s7] =	ssyncset.done $0x0  }
0x27: {  	[sflag:s7] =	ssyncadd.s32 $0xFFFFE000  }
0x28: {  	_ =	sfence.sel $0x180000  }
0x29: {  	[bflag:$0x0] =	sbarrier.arrive $0xFFFF  }
0x2a: {  	p0 =	sne.s32 s0, $0x0;
	_ =	strace $0x90000047  }
0x2b: {  	s0 =	sadd.s32 @!p0 $0x100000, s1;
	[bflag:$0x2] =	sbarrier.arrive $0xFFFF  }
0x2c: {  	[sflag:s0] =	ssyncadd.tile.s32 @!p0 $0x1;
	_ =	shalt  }
.Lfunc_end2:
_tile_overlayer_lowered:
.L_overlay_start_2:
0x2d: {  	(tag) =	ssettag $0x2  }
0x2e: {  	s0 =	rddreg [dreg:$0x0];
	s2 =	stileid.u32  }
0x2f: {  	s1 =	rddreg [dreg:$0x1];
	p0 =	sne.s32 s2, $0x0  }
0x30: {  	s3 =	rddreg [dreg:$0x2];
	[bflag:$0x3] =	sbarrier.arrive $0xFFFF;
	s2 =	simm.s32 @!p0 $0x1C02  }
0x31: {  	[timem:s3], [sflag:s2] =	dma.local @!p0 [hbm:s0], s1  }
0x32: {  	s0 =	simm.s32 @!p0 $0x2  }
0x33: {  	_ =	swait.ge @!p0 [sflag:s0], s1  }
0x34: {  	s1 =	ssub.s32 @!p0 $0x0, s1;
	[sflag:s0] =	ssyncset.done @!p0 $0x0  }
0x35: {  	[sflag:s0] =	ssyncadd.s32 @!p0 s1  }
0x36: {  	[bflag:$0x3] =	sbarrier.arrive $0xFFFF  }
0x37: {  	_ =	shalt  }

</sc_bundles>
